<compile_context>
chip_gen: v7x
topology: tpu7x:2x2x1
jax: 0.10.2.dev20260603
libtpu: 0.0.44.dev20260713+nightly
codegen_flags: <defaults>
</compile_context>

<pallas_src>
import jax
import jax.numpy as jnp
from jax import lax
from jax.experimental import pallas as pl
from jax.experimental.pallas import tpu as pltpu
from jax.experimental.pallas import tpu_sc as plsc

B = 16
G = 100
P = 500
L = 16
STEPS = 32

_HALF_LOG_A = -0.0010010006671670687


def _sc_body(gt_hbm, idx_hbm, t_hbm, nz_hbm, out_hbm,
             gt_v, idx_v, t_v, nz_v, out_v, sem):
    b = lax.axis_index("s")

    cp_gt = pltpu.async_copy(gt_hbm.at[pl.ds(b * (G * 4), G * 4)], gt_v, sem)
    cp_ix = pltpu.async_copy(idx_hbm.at[b], idx_v.at[pl.ds(0, P)], sem)
    cp_t = pltpu.async_copy(t_hbm.at[b], t_v.at[pl.ds(0, P)], sem)
    cp_nz = pltpu.async_copy(nz_hbm.at[b], nz_v.at[pl.ds(0, P * 4)], sem)
    cp_gt.wait()
    cp_ix.wait()
    cp_t.wait()
    cp_nz.wait()

    lane4 = lax.iota(jnp.int32, 16) * 4

    def _step(i, carry):
        off = i * L
        g = jnp.minimum(jnp.maximum(idx_v[pl.ds(off, L)], 0), G - 1)
        tf = t_v[pl.ds(off, L)].astype(jnp.float32)
        sa = jnp.exp(tf * _HALF_LOG_A)
        x = 1.0 - sa * sa
        y = lax.bitcast_convert_type(
            0x5F3759DF - (lax.bitcast_convert_type(x, jnp.int32) >> 1),
            jnp.float32)
        for _ in range(2):
            y = y * (1.5 - 0.5 * x * y * y)
        sb = x * y * 1024.0
        gi = g * 4
        voff = off * 4
        for c in range(4):
            nidx = lane4 + (voff + c)
            gv = plsc.load_gather(gt_v, [gi + c])
            nv = plsc.load_gather(nz_v, [nidx])
            plsc.store_scatter(out_v, [nidx], gv * sa + nv * sb)
        return carry

    lax.fori_loop(0, STEPS, _step, 0)

    pltpu.sync_copy(out_v.at[pl.ds(0, P * 4)],
                    out_hbm.at[pl.ds(b * (P * 4), P * 4)])


@jax.jit
def kernel(gt_boxes, sampled_indices, t, noise):
    idx2 = sampled_indices.astype(jnp.int32)
    t2 = t.astype(jnp.int32)
    nz2 = noise.reshape(B, P * 4)
    gt_flat = gt_boxes.reshape(-1)

    sc = pl.kernel(
        _sc_body,
        out_type=jax.ShapeDtypeStruct((B * P * 4,), jnp.float32),
        mesh=plsc.VectorSubcoreMesh(core_axis_name="c", subcore_axis_name="s",
                                    num_cores=1),
        compiler_params=pltpu.CompilerParams(needs_layout_passes=False,
                                             use_tc_tiling_on_sc=False,
                                             disable_bounds_checks=True),
        scratch_types=[
            pltpu.VMEM((G * 4,), jnp.float32),
            pltpu.VMEM((512,), jnp.int32),
            pltpu.VMEM((512,), jnp.int32),
            pltpu.VMEM((2048,), jnp.float32),
            pltpu.VMEM((2048,), jnp.float32),
            pltpu.SemaphoreType.DMA,
        ],
    )
    out_flat = sc(gt_flat, idx2, t2, nz2)
    prior = out_flat.reshape(B, P, 4)
    return prior, t, sampled_indices

# --- scband reference (transcript-rebuilt; emitter-appended) ---
"""Pipeline reference for scband-noised-ground-truth-70531952934913 (READ-ONLY COPY).

The authoritative reference and input builder live on the scoring server;
editing this copy changes nothing except your own understanding.
"""

import jax, jax.numpy as jnp
import numpy as np

GAUSSIAN_ERROR = 0.002
IMG_H = 1024
IMG_W = 1024


def setup_inputs(seed: int = 0) -> dict:
    key = jax.random.key(seed)
    k1, k2, k3, k4 = jax.random.split(key, 4)
    B, G, P = 16, 100, 500
    scale = jnp.array([IMG_W, IMG_H, IMG_W, IMG_H], dtype=jnp.float32)
    # GT boxes in absolute pixel coordinates (as detectron2 Instances store them)
    gt_boxes = jax.random.uniform(k1, (B, G, 4), dtype=jnp.float32) * scale
    # torch.randint(len(gt_boxes), size=(P,)) per image -> batched here
    sampled_indices = jax.random.randint(k2, (B, P), 0, G).astype(jnp.int64)
    # torch.randint(1000, size=(P,)) per image (diffusion timestep)
    t = jax.random.randint(k3, (B, P), 0, 1000).astype(jnp.int64)
    # torch.randn((P, 4)) per image (diffusion noise)
    noise = jax.random.normal(k4, (B, P, 4), dtype=jnp.float32)
    return {"gt_boxes": gt_boxes, "sampled_indices": sampled_indices, "t": t, "noise": noise}


def reference(gt_boxes, sampled_indices, t, noise):
    # Faithful batched translation of NoisedGroundTruth.forward with use_t=True
    # and every image having len(gt_boxes) > 0.
    scale = jnp.array([IMG_W, IMG_H, IMG_W, IMG_H], dtype=jnp.float32)
    # gt_boxes[sampled_indices] / scale  (gather per image)
    sampled_gt_boxes = jnp.take_along_axis(gt_boxes, sampled_indices[..., None], axis=1) / scale
    # alpha_cumprod = (1 - gaussian_error) ** t, unsqueeze(-1)
    alpha_cumprod = (1.0 - GAUSSIAN_ERROR) ** t.astype(jnp.float32)
    alpha_cumprod = alpha_cumprod[..., None]
    corrupted = sampled_gt_boxes * jnp.sqrt(alpha_cumprod) + noise * jnp.sqrt(1.0 - alpha_cumprod)
    prior = scale * corrupted  # proposal_boxes
    prior_t = t                # prior_t
    original_gt = sampled_indices
    return prior, prior_t, original_gt

if __name__ == "__main__":
    import jax
    _d = setup_inputs()
    print(jax.jit(kernel)(*tuple(_d.values())))

</pallas_src>

<mosaic_0001>
#map = affine_map<(d0, d1) -> (0)>
#map1 = affine_map<(d0, d1) -> (0, 0)>
module attributes {stable_mosaic.version = 14 : i64} {
  func.func @_sc_body(%arg0: i32, %arg1: i32, %arg2: memref<6400xf32, #tpu.memory_space<hbm>>, %arg3: memref<16x500xi32, #tpu.memory_space<hbm>>, %arg4: memref<16x500xi32, #tpu.memory_space<hbm>>, %arg5: memref<16x2000xf32, #tpu.memory_space<hbm>>, %arg6: memref<32000xf32, #tpu.memory_space<hbm>>, %arg7: memref<400xf32, #tpu.memory_space<vmem>>, %arg8: memref<512xi32, #tpu.memory_space<vmem>>, %arg9: memref<512xi32, #tpu.memory_space<vmem>>, %arg10: memref<2048xf32, #tpu.memory_space<vmem>>, %arg11: memref<2048xf32, #tpu.memory_space<vmem>>, %arg12: memref<!tpu.dma_semaphore, #tpu.memory_space<semaphore_mem>>) attributes {dimension_semantics = [#tpu.dimension_semantics<core_parallel>, #tpu.dimension_semantics<subcore_parallel>], iteration_bounds = array<i64: 1, 16>, scalar_prefetch = 0 : i64, scratch_operands = 6 : i64, tpu.core_type = #tpu.core_type<sc_vector_subcore>, window_params = [{transform_indices = #map}, {transform_indices = #map1}, {transform_indices = #map1}, {transform_indices = #map1}, {transform_indices = #map}]} {
    %mul3A = arith.constant 400 : i32
    %mul3A_0 = arith.muli %arg1, %mul3A : i32
    %dma_start3A = tpu.memref_slice %arg2[%mul3A_0] : memref<6400xf32, #tpu.memory_space<hbm>> -> memref<400xf32, #tpu.memory_space<hbm>>
    %dma_start3A_1 = tpu.memref_slice %arg2[%mul3A_0] : memref<6400xf32, #tpu.memory_space<hbm>> -> memref<400xf32, #tpu.memory_space<hbm>>
    tpu.enqueue_dma source(%dma_start3A_1 : memref<400xf32, #tpu.memory_space<hbm>>) target(%arg7 : memref<400xf32, #tpu.memory_space<vmem>>) target_semaphore(%arg12 : memref<!tpu.dma_semaphore, #tpu.memory_space<semaphore_mem>>)
    %dma_start3A_2 = arith.constant 0 : i32
    %dma_start3A_3 = tpu.memref_slice %arg8[%dma_start3A_2] : memref<512xi32, #tpu.memory_space<vmem>> -> memref<500xi32, #tpu.memory_space<vmem>>
    %dma_start3A_4 = arith.constant 0 : i32
    %dma_start3A_5 = tpu.memref_slice %arg3[%arg1, %dma_start3A_4] : memref<16x500xi32, #tpu.memory_space<hbm>> -> memref<1x500xi32, #tpu.memory_space<hbm>>
    %dma_start3A_6 = tpu.memref_squeeze %dma_start3A_5 : memref<1x500xi32, #tpu.memory_space<hbm>> -> memref<500xi32, #tpu.memory_space<hbm>>
    %dma_start3A_7 = arith.constant 0 : i32
    %dma_start3A_8 = tpu.memref_slice %arg8[%dma_start3A_7] : memref<512xi32, #tpu.memory_space<vmem>> -> memref<500xi32, #tpu.memory_space<vmem>>
    %dma_start3A_9 = arith.constant 0 : i32
    %dma_start3A_10 = tpu.memref_slice %arg3[%arg1, %dma_start3A_9] : memref<16x500xi32, #tpu.memory_space<hbm>> -> memref<1x500xi32, #tpu.memory_space<hbm>>
    %dma_start3A_11 = tpu.memref_squeeze %dma_start3A_10 : memref<1x500xi32, #tpu.memory_space<hbm>> -> memref<500xi32, #tpu.memory_space<hbm>>
    tpu.enqueue_dma source(%dma_start3A_11 : memref<500xi32, #tpu.memory_space<hbm>>) target(%dma_start3A_8 : memref<500xi32, #tpu.memory_space<vmem>>) target_semaphore(%arg12 : memref<!tpu.dma_semaphore, #tpu.memory_space<semaphore_mem>>)
    %dma_start3A_12 = arith.constant 0 : i32
    %dma_start3A_13 = tpu.memref_slice %arg9[%dma_start3A_12] : memref<512xi32, #tpu.memory_space<vmem>> -> memref<500xi32, #tpu.memory_space<vmem>>
    %dma_start3A_14 = arith.constant 0 : i32
    %dma_start3A_15 = tpu.memref_slice %arg4[%arg1, %dma_start3A_14] : memref<16x500xi32, #tpu.memory_space<hbm>> -> memref<1x500xi32, #tpu.memory_space<hbm>>
    %dma_start3A_16 = tpu.memref_squeeze %dma_start3A_15 : memref<1x500xi32, #tpu.memory_space<hbm>> -> memref<500xi32, #tpu.memory_space<hbm>>
    %dma_start3A_17 = arith.constant 0 : i32
    %dma_start3A_18 = tpu.memref_slice %arg9[%dma_start3A_17] : memref<512xi32, #tpu.memory_space<vmem>> -> memref<500xi32, #tpu.memory_space<vmem>>
    %dma_start3A_19 = arith.constant 0 : i32
    %dma_start3A_20 = tpu.memref_slice %arg4[%arg1, %dma_start3A_19] : memref<16x500xi32, #tpu.memory_space<hbm>> -> memref<1x500xi32, #tpu.memory_space<hbm>>
    %dma_start3A_21 = tpu.memref_squeeze %dma_start3A_20 : memref<1x500xi32, #tpu.memory_space<hbm>> -> memref<500xi32, #tpu.memory_space<hbm>>
    tpu.enqueue_dma source(%dma_start3A_21 : memref<500xi32, #tpu.memory_space<hbm>>) target(%dma_start3A_18 : memref<500xi32, #tpu.memory_space<vmem>>) target_semaphore(%arg12 : memref<!tpu.dma_semaphore, #tpu.memory_space<semaphore_mem>>)
    %dma_start3A_22 = arith.constant 0 : i32
    %dma_start3A_23 = tpu.memref_slice %arg10[%dma_start3A_22] : memref<2048xf32, #tpu.memory_space<vmem>> -> memref<2000xf32, #tpu.memory_space<vmem>>
    %dma_start3A_24 = arith.constant 0 : i32
    %dma_start3A_25 = tpu.memref_slice %arg5[%arg1, %dma_start3A_24] : memref<16x2000xf32, #tpu.memory_space<hbm>> -> memref<1x2000xf32, #tpu.memory_space<hbm>>
    %dma_start3A_26 = tpu.memref_squeeze %dma_start3A_25 : memref<1x2000xf32, #tpu.memory_space<hbm>> -> memref<2000xf32, #tpu.memory_space<hbm>>
    %dma_start3A_27 = arith.constant 0 : i32
    %dma_start3A_28 = tpu.memref_slice %arg10[%dma_start3A_27] : memref<2048xf32, #tpu.memory_space<vmem>> -> memref<2000xf32, #tpu.memory_space<vmem>>
    %dma_start3A_29 = arith.constant 0 : i32
    %dma_start3A_30 = tpu.memref_slice %arg5[%arg1, %dma_start3A_29] : memref<16x2000xf32, #tpu.memory_space<hbm>> -> memref<1x2000xf32, #tpu.memory_space<hbm>>
    %dma_start3A_31 = tpu.memref_squeeze %dma_start3A_30 : memref<1x2000xf32, #tpu.memory_space<hbm>> -> memref<2000xf32, #tpu.memory_space<hbm>>
    tpu.enqueue_dma source(%dma_start3A_31 : memref<2000xf32, #tpu.memory_space<hbm>>) target(%dma_start3A_28 : memref<2000xf32, #tpu.memory_space<vmem>>) target_semaphore(%arg12 : memref<!tpu.dma_semaphore, #tpu.memory_space<semaphore_mem>>)
    %dma_wait3A = tpu.memref_slice %arg2[%mul3A_0] : memref<6400xf32, #tpu.memory_space<hbm>> -> memref<400xf32, #tpu.memory_space<hbm>>
    %dma_wait3A_32 = tpu.memref_slice %arg2[%mul3A_0] : memref<6400xf32, #tpu.memory_space<hbm>> -> memref<400xf32, #tpu.memory_space<hbm>>
    tpu.wait_dma2 semaphore(%arg12 : memref<!tpu.dma_semaphore, #tpu.memory_space<semaphore_mem>>) src(%dma_wait3A_32 : memref<400xf32, #tpu.memory_space<hbm>>) dst(%arg7 : memref<400xf32, #tpu.memory_space<vmem>>)
    %dma_wait3A_33 = arith.constant 0 : i32
    %dma_wait3A_34 = tpu.memref_slice %arg8[%dma_wait3A_33] : memref<512xi32, #tpu.memory_space<vmem>> -> memref<500xi32, #tpu.memory_space<vmem>>
    %dma_wait3A_35 = arith.constant 0 : i32
    %dma_wait3A_36 = tpu.memref_slice %arg3[%arg1, %dma_wait3A_35] : memref<16x500xi32, #tpu.memory_space<hbm>> -> memref<1x500xi32, #tpu.memory_space<hbm>>
    %dma_wait3A_37 = tpu.memref_squeeze %dma_wait3A_36 : memref<1x500xi32, #tpu.memory_space<hbm>> -> memref<500xi32, #tpu.memory_space<hbm>>
    %dma_wait3A_38 = arith.constant 0 : i32
    %dma_wait3A_39 = tpu.memref_slice %arg8[%dma_wait3A_38] : memref<512xi32, #tpu.memory_space<vmem>> -> memref<500xi32, #tpu.memory_space<vmem>>
    %dma_wait3A_40 = arith.constant 0 : i32
    %dma_wait3A_41 = tpu.memref_slice %arg3[%arg1, %dma_wait3A_40] : memref<16x500xi32, #tpu.memory_space<hbm>> -> memref<1x500xi32, #tpu.memory_space<hbm>>
    %dma_wait3A_42 = tpu.memref_squeeze %dma_wait3A_41 : memref<1x500xi32, #tpu.memory_space<hbm>> -> memref<500xi32, #tpu.memory_space<hbm>>
    tpu.wait_dma2 semaphore(%arg12 : memref<!tpu.dma_semaphore, #tpu.memory_space<semaphore_mem>>) src(%dma_wait3A_42 : memref<500xi32, #tpu.memory_space<hbm>>) dst(%dma_wait3A_39 : memref<500xi32, #tpu.memory_space<vmem>>)
    %dma_wait3A_43 = arith.constant 0 : i32
    %dma_wait3A_44 = tpu.memref_slice %arg9[%dma_wait3A_43] : memref<512xi32, #tpu.memory_space<vmem>> -> memref<500xi32, #tpu.memory_space<vmem>>
    %dma_wait3A_45 = arith.constant 0 : i32
    %dma_wait3A_46 = tpu.memref_slice %arg4[%arg1, %dma_wait3A_45] : memref<16x500xi32, #tpu.memory_space<hbm>> -> memref<1x500xi32, #tpu.memory_space<hbm>>
    %dma_wait3A_47 = tpu.memref_squeeze %dma_wait3A_46 : memref<1x500xi32, #tpu.memory_space<hbm>> -> memref<500xi32, #tpu.memory_space<hbm>>
    %dma_wait3A_48 = arith.constant 0 : i32
    %dma_wait3A_49 = tpu.memref_slice %arg9[%dma_wait3A_48] : memref<512xi32, #tpu.memory_space<vmem>> -> memref<500xi32, #tpu.memory_space<vmem>>
    %dma_wait3A_50 = arith.constant 0 : i32
    %dma_wait3A_51 = tpu.memref_slice %arg4[%arg1, %dma_wait3A_50] : memref<16x500xi32, #tpu.memory_space<hbm>> -> memref<1x500xi32, #tpu.memory_space<hbm>>
    %dma_wait3A_52 = tpu.memref_squeeze %dma_wait3A_51 : memref<1x500xi32, #tpu.memory_space<hbm>> -> memref<500xi32, #tpu.memory_space<hbm>>
    tpu.wait_dma2 semaphore(%arg12 : memref<!tpu.dma_semaphore, #tpu.memory_space<semaphore_mem>>) src(%dma_wait3A_52 : memref<500xi32, #tpu.memory_space<hbm>>) dst(%dma_wait3A_49 : memref<500xi32, #tpu.memory_space<vmem>>)
    %dma_wait3A_53 = arith.constant 0 : i32
    %dma_wait3A_54 = tpu.memref_slice %arg10[%dma_wait3A_53] : memref<2048xf32, #tpu.memory_space<vmem>> -> memref<2000xf32, #tpu.memory_space<vmem>>
    %dma_wait3A_55 = arith.constant 0 : i32
    %dma_wait3A_56 = tpu.memref_slice %arg5[%arg1, %dma_wait3A_55] : memref<16x2000xf32, #tpu.memory_space<hbm>> -> memref<1x2000xf32, #tpu.memory_space<hbm>>
    %dma_wait3A_57 = tpu.memref_squeeze %dma_wait3A_56 : memref<1x2000xf32, #tpu.memory_space<hbm>> -> memref<2000xf32, #tpu.memory_space<hbm>>
    %dma_wait3A_58 = arith.constant 0 : i32
    %dma_wait3A_59 = tpu.memref_slice %arg10[%dma_wait3A_58] : memref<2048xf32, #tpu.memory_space<vmem>> -> memref<2000xf32, #tpu.memory_space<vmem>>
    %dma_wait3A_60 = arith.constant 0 : i32
    %dma_wait3A_61 = tpu.memref_slice %arg5[%arg1, %dma_wait3A_60] : memref<16x2000xf32, #tpu.memory_space<hbm>> -> memref<1x2000xf32, #tpu.memory_space<hbm>>
    %dma_wait3A_62 = tpu.memref_squeeze %dma_wait3A_61 : memref<1x2000xf32, #tpu.memory_space<hbm>> -> memref<2000xf32, #tpu.memory_space<hbm>>
    tpu.wait_dma2 semaphore(%arg12 : memref<!tpu.dma_semaphore, #tpu.memory_space<semaphore_mem>>) src(%dma_wait3A_62 : memref<2000xf32, #tpu.memory_space<hbm>>) dst(%dma_wait3A_59 : memref<2000xf32, #tpu.memory_space<vmem>>)
    %iota3A = tpu.iota {dimensions = array<i32: 0>} : vector<16xi32>
    %mul3A_63 = arith.constant 4 : i32
    %mul3A_64 = vector.broadcast %mul3A_63 : i32 to vector<16xi32>
    %mul3A_65 = arith.muli %iota3A, %mul3A_64 : vector<16xi32>
    %scan3A = arith.constant 0 : i32
    %scan3A_66 = arith.constant 0 : i32
    %scan3A_67 = arith.constant 32 : i32
    %scan3A_68 = arith.addi %scan3A_66, %scan3A_67 : i32
    %scan3A_69 = arith.constant 1 : i32
    scf.for %scan3A_73 = %scan3A_66 to %scan3A_68 step %scan3A_69  : i32 {
      %mul3A_74 = arith.constant 16 : i32
      %mul3A_75 = arith.muli %scan3A_73, %mul3A_74 : i32
      %get3A = arith.index_cast %mul3A_75 : i32 to index
      %get3A_76 = tpu.vector_load %arg8[%get3A] {strides = array<i32>} : memref<512xi32, #tpu.memory_space<vmem>>, vector<16xi32>,
      %max3A = arith.constant 0 : i32
      %max3A_77 = vector.broadcast %max3A : i32 to vector<16xi32>
      %max3A_78 = arith.maxsi %get3A_76, %max3A_77 : vector<16xi32>
      %min3A = arith.constant 99 : i32
      %min3A_79 = vector.broadcast %min3A : i32 to vector<16xi32>
      %min3A_80 = arith.minsi %max3A_78, %min3A_79 : vector<16xi32>
      %get3A_81 = arith.index_cast %mul3A_75 : i32 to index
      %get3A_82 = tpu.vector_load %arg9[%get3A_81] {strides = array<i32>} : memref<512xi32, #tpu.memory_space<vmem>>, vector<16xi32>,
      %convert_element_type3A = arith.sitofp %get3A_82 : vector<16xi32> to vector<16xf32>
      %mul3A_83 = arith.constant -0.00100100064 : f32
      %mul3A_84 = vector.broadcast %mul3A_83 : f32 to vector<16xf32>
      %mul3A_85 = arith.mulf %convert_element_type3A, %mul3A_84 : vector<16xf32>
      %exp3A = math.exp %mul3A_85 : vector<16xf32>
      %mul3A_86 = arith.mulf %exp3A, %exp3A : vector<16xf32>
      %sub3A = arith.constant 1.000000e+00 : f32
      %sub3A_87 = vector.broadcast %sub3A : f32 to vector<16xf32>
      %sub3A_88 = arith.subf %sub3A_87, %mul3A_86 : vector<16xf32>
      %bitcast_convert_type3A = tpu.bitcast %sub3A_88 : vector<16xf32> -> vector<16xi32>
      %shift_right_arithmetic3A = arith.constant 1 : i32
      %shift_right_arithmetic3A_89 = vector.broadcast %shift_right_arithmetic3A : i32 to vector<16xi32>
      %shift_right_arithmetic3A_90 = arith.shrsi %bitcast_convert_type3A, %shift_right_arithmetic3A_89 : vector<16xi32>
      %sub3A_91 = arith.constant 1597463007 : i32
      %sub3A_92 = vector.broadcast %sub3A_91 : i32 to vector<16xi32>
      %sub3A_93 = arith.subi %sub3A_92, %shift_right_arithmetic3A_90 : vector<16xi32>
      %bitcast_convert_type3A_94 = tpu.bitcast %sub3A_93 : vector<16xi32> -> vector<16xf32>
      %mul3A_95 = arith.constant 5.000000e-01 : f32
      %mul3A_96 = vector.broadcast %mul3A_95 : f32 to vector<16xf32>
      %mul3A_97 = arith.mulf %mul3A_96, %sub3A_88 : vector<16xf32>
      %mul3A_98 = arith.mulf %mul3A_97, %bitcast_convert_type3A_94 : vector<16xf32>
      %mul3A_99 = arith.mulf %mul3A_98, %bitcast_convert_type3A_94 : vector<16xf32>
      %sub3A_100 = arith.constant 1.500000e+00 : f32
      %sub3A_101 = vector.broadcast %sub3A_100 : f32 to vector<16xf32>
      %sub3A_102 = arith.subf %sub3A_101, %mul3A_99 : vector<16xf32>
      %mul3A_103 = arith.mulf %bitcast_convert_type3A_94, %sub3A_102 : vector<16xf32>
      %mul3A_104 = arith.constant 5.000000e-01 : f32
      %mul3A_105 = vector.broadcast %mul3A_104 : f32 to vector<16xf32>
      %mul3A_106 = arith.mulf %mul3A_105, %sub3A_88 : vector<16xf32>
      %mul3A_107 = arith.mulf %mul3A_106, %mul3A_103 : vector<16xf32>
      %mul3A_108 = arith.mulf %mul3A_107, %mul3A_103 : vector<16xf32>
      %sub3A_109 = arith.constant 1.500000e+00 : f32
      %sub3A_110 = vector.broadcast %sub3A_109 : f32 to vector<16xf32>
      %sub3A_111 = arith.subf %sub3A_110, %mul3A_108 : vector<16xf32>
      %mul3A_112 = arith.mulf %mul3A_103, %sub3A_111 : vector<16xf32>
      %mul3A_113 = arith.mulf %sub3A_88, %mul3A_112 : vector<16xf32>
      %mul3A_114 = arith.constant 1.024000e+03 : f32
      %mul3A_115 = vector.broadcast %mul3A_114 : f32 to vector<16xf32>
      %mul3A_116 = arith.mulf %mul3A_113, %mul3A_115 : vector<16xf32>
      %mul3A_117 = arith.constant 4 : i32
      %mul3A_118 = vector.broadcast %mul3A_117 : i32 to vector<16xi32>
      %mul3A_119 = arith.muli %min3A_80, %mul3A_118 : vector<16xi32>
      %mul3A_120 = arith.constant 4 : i32
      %mul3A_121 = arith.muli %mul3A_75, %mul3A_120 : i32
      %add3A = arith.constant 0 : i32
      %add3A_122 = arith.addi %mul3A_121, %add3A : i32
      %add3A_123 = vector.broadcast %add3A_122 : i32 to vector<16xi32>
      %add3A_124 = arith.addi %mul3A_65, %add3A_123 : vector<16xi32>
      %add3A_125 = arith.constant 0 : i32
      %add3A_126 = vector.broadcast %add3A_125 : i32 to vector<16xi32>
      %add3A_127 = arith.addi %mul3A_119, %add3A_126 : vector<16xi32>
      %gather3A = tpu.vector_load_idx %arg7[%add3A_127] : memref<400xf32, #tpu.memory_space<vmem>>[vector<16xi32>], vector<16xf32>,
      %gather3A_128 = tpu.vector_load_idx %arg10[%add3A_124] : memref<2048xf32, #tpu.memory_space<vmem>>[vector<16xi32>], vector<16xf32>,
      %mul3A_129 = arith.mulf %gather3A, %exp3A : vector<16xf32>
      %mul3A_130 = arith.mulf %gather3A_128, %mul3A_116 : vector<16xf32>
      %add3A_131 = arith.addf %mul3A_129, %mul3A_130 : vector<16xf32>
      tpu.vector_store_idx %arg11[%add3A_124], %add3A_131 : memref<2048xf32, #tpu.memory_space<vmem>>[vector<16xi32>], vector<16xf32>,
      %add3A_132 = arith.constant 1 : i32
      %add3A_133 = arith.addi %mul3A_121, %add3A_132 : i32
      %add3A_134 = vector.broadcast %add3A_133 : i32 to vector<16xi32>
      %add3A_135 = arith.addi %mul3A_65, %add3A_134 : vector<16xi32>
      %add3A_136 = arith.constant 1 : i32
      %add3A_137 = vector.broadcast %add3A_136 : i32 to vector<16xi32>
      %add3A_138 = arith.addi %mul3A_119, %add3A_137 : vector<16xi32>
      %gather3A_139 = tpu.vector_load_idx %arg7[%add3A_138] : memref<400xf32, #tpu.memory_space<vmem>>[vector<16xi32>], vector<16xf32>,
      %gather3A_140 = tpu.vector_load_idx %arg10[%add3A_135] : memref<2048xf32, #tpu.memory_space<vmem>>[vector<16xi32>], vector<16xf32>,
      %mul3A_141 = arith.mulf %gather3A_139, %exp3A : vector<16xf32>
      %mul3A_142 = arith.mulf %gather3A_140, %mul3A_116 : vector<16xf32>
      %add3A_143 = arith.addf %mul3A_141, %mul3A_142 : vector<16xf32>
      tpu.vector_store_idx %arg11[%add3A_135], %add3A_143 : memref<2048xf32, #tpu.memory_space<vmem>>[vector<16xi32>], vector<16xf32>,
      %add3A_144 = arith.constant 2 : i32
      %add3A_145 = arith.addi %mul3A_121, %add3A_144 : i32
      %add3A_146 = vector.broadcast %add3A_145 : i32 to vector<16xi32>
      %add3A_147 = arith.addi %mul3A_65, %add3A_146 : vector<16xi32>
      %add3A_148 = arith.constant 2 : i32
      %add3A_149 = vector.broadcast %add3A_148 : i32 to vector<16xi32>
      %add3A_150 = arith.addi %mul3A_119, %add3A_149 : vector<16xi32>
      %gather3A_151 = tpu.vector_load_idx %arg7[%add3A_150] : memref<400xf32, #tpu.memory_space<vmem>>[vector<16xi32>], vector<16xf32>,
      %gather3A_152 = tpu.vector_load_idx %arg10[%add3A_147] : memref<2048xf32, #tpu.memory_space<vmem>>[vector<16xi32>], vector<16xf32>,
      %mul3A_153 = arith.mulf %gather3A_151, %exp3A : vector<16xf32>
      %mul3A_154 = arith.mulf %gather3A_152, %mul3A_116 : vector<16xf32>
      %add3A_155 = arith.addf %mul3A_153, %mul3A_154 : vector<16xf32>
      tpu.vector_store_idx %arg11[%add3A_147], %add3A_155 : memref<2048xf32, #tpu.memory_space<vmem>>[vector<16xi32>], vector<16xf32>,
      %add3A_156 = arith.constant 3 : i32
      %add3A_157 = arith.addi %mul3A_121, %add3A_156 : i32
      %add3A_158 = vector.broadcast %add3A_157 : i32 to vector<16xi32>
      %add3A_159 = arith.addi %mul3A_65, %add3A_158 : vector<16xi32>
      %add3A_160 = arith.constant 3 : i32
      %add3A_161 = vector.broadcast %add3A_160 : i32 to vector<16xi32>
      %add3A_162 = arith.addi %mul3A_119, %add3A_161 : vector<16xi32>
      %gather3A_163 = tpu.vector_load_idx %arg7[%add3A_162] : memref<400xf32, #tpu.memory_space<vmem>>[vector<16xi32>], vector<16xf32>,
      %gather3A_164 = tpu.vector_load_idx %arg10[%add3A_159] : memref<2048xf32, #tpu.memory_space<vmem>>[vector<16xi32>], vector<16xf32>,
      %mul3A_165 = arith.mulf %gather3A_163, %exp3A : vector<16xf32>
      %mul3A_166 = arith.mulf %gather3A_164, %mul3A_116 : vector<16xf32>
      %add3A_167 = arith.addf %mul3A_165, %mul3A_166 : vector<16xf32>
      tpu.vector_store_idx %arg11[%add3A_159], %add3A_167 : memref<2048xf32, #tpu.memory_space<vmem>>[vector<16xi32>], vector<16xf32>,
    }
    %scan3A_70 = arith.constant 32 : i32
    %mul3A_71 = arith.constant 2000 : i32
    %mul3A_72 = arith.muli %arg1, %mul3A_71 : i32
    "tpu.region"() ({
      %run_scoped3A = tpu.sem_alloc : memref<!tpu.dma_semaphore, #tpu.memory_space<semaphore_mem>>
      %dma_start3A_73 = arith.constant 0 : i32
      %dma_start3A_74 = tpu.memref_slice %arg11[%dma_start3A_73] : memref<2048xf32, #tpu.memory_space<vmem>> -> memref<2000xf32, #tpu.memory_space<vmem>>
      %dma_start3A_75 = tpu.memref_slice %arg6[%mul3A_72] : memref<32000xf32, #tpu.memory_space<hbm>> -> memref<2000xf32, #tpu.memory_space<hbm>>
      %dma_start3A_76 = tpu.memref_slice %arg6[%mul3A_72] : memref<32000xf32, #tpu.memory_space<hbm>> -> memref<2000xf32, #tpu.memory_space<hbm>>
      %dma_start3A_77 = arith.constant 0 : i32
      %dma_start3A_78 = tpu.memref_slice %arg11[%dma_start3A_77] : memref<2048xf32, #tpu.memory_space<vmem>> -> memref<2000xf32, #tpu.memory_space<vmem>>
      tpu.enqueue_dma source(%dma_start3A_78 : memref<2000xf32, #tpu.memory_space<vmem>>) target(%dma_start3A_76 : memref<2000xf32, #tpu.memory_space<hbm>>) target_semaphore(%run_scoped3A : memref<!tpu.dma_semaphore, #tpu.memory_space<semaphore_mem>>)
      %dma_wait3A_79 = arith.constant 0 : i32
      %dma_wait3A_80 = tpu.memref_slice %arg11[%dma_wait3A_79] : memref<2048xf32, #tpu.memory_space<vmem>> -> memref<2000xf32, #tpu.memory_space<vmem>>
      %dma_wait3A_81 = tpu.memref_slice %arg6[%mul3A_72] : memref<32000xf32, #tpu.memory_space<hbm>> -> memref<2000xf32, #tpu.memory_space<hbm>>
      %dma_wait3A_82 = tpu.memref_slice %arg6[%mul3A_72] : memref<32000xf32, #tpu.memory_space<hbm>> -> memref<2000xf32, #tpu.memory_space<hbm>>
      %dma_wait3A_83 = arith.constant 0 : i32
      %dma_wait3A_84 = tpu.memref_slice %arg11[%dma_wait3A_83] : memref<2048xf32, #tpu.memory_space<vmem>> -> memref<2000xf32, #tpu.memory_space<vmem>>
      tpu.wait_dma2 semaphore(%run_scoped3A : memref<!tpu.dma_semaphore, #tpu.memory_space<semaphore_mem>>) src(%dma_wait3A_84 : memref<2000xf32, #tpu.memory_space<vmem>>) dst(%dma_wait3A_82 : memref<2000xf32, #tpu.memory_space<hbm>>)
      tpu.yield
    }) : () -> ()
    return
  }
}

</mosaic_0001>

<sc_bundles>
// kernel: kernel.3.cloned.1.call-start
scs
__scs_entry_jumppad:
0x0: {  	(pc) =	sbr.rel $0x88, $3  }
0x1: {  	(tag) =	ssettag $0x0;
	lr =	simm.s32 $0x1  }
0x2: {  	[smem:$0x3F9D] =	sst lr;
	_ =	strace $0xD0000000  }
0x3: {  	_ = 	snop  }
0x4: {  	_ = 	snop  }
0x5: {  	_ = 	snop  }
0x6: {  	_ = 	snop  }
0x7: {  	_ = 	snop  }
__scs_overlays_trampoline_lowered:
0x8: {  	[smem:$0x3FAC] =	sst s0  }
0x9: {  	[smem:$0x3FAD] =	sst s1  }
0xa: {  	[smem:$0x3FAE] =	sst s2  }
0xb: {  	[smem:$0x3FAF] =	sst s3  }
0xc: {  	[smem:$0x3FB0] =	sst s4  }
0xd: {  	[smem:$0x3FB1] =	sst s5  }
0xe: {  	[smem:$0x3FB2] =	sst s6  }
0xf: {  	[smem:$0x3FB3] =	sst s7  }
0x10: {  	[smem:$0x3FB4] =	sst s8  }
0x11: {  	[smem:$0x3FB5] =	sst s9;
	s0 =	simm.s32 @!p0 $0x0  }
0x12: {  	s1 =	sld [smem:$0x3F9B];
	s0 =	simm.s32 @p0 $0x1  }
0x13: {  	[smem:$0x3FB6] =	sst s0;
	s0 =	simm.s32 @!p1 $0x0  }
0x14: {  	s2 =	sld [smem:$0x3F9A];
	s0 =	simm.s32 @p1 $0x1  }
0x15: {  	[smem:$0x3FB7] =	sst s0;
	s0 =	simm.s32 @!p2 $0x0  }
0x16: {  	s3 =	sld [smem:$0x3FDB];
	s0 =	simm.s32 @p2 $0x1  }
0x17: {  	s4 =	simm.s32 $0x1BF5;
	[smem:$0x3FB9] =	sst s0  }
0x18: {  	s0 =	sld [smem:$0x3F9C];
	_ =	swait.ge [sflag:s4], $0x0  }
0x19: {  	s7 =	sld [smem:$0x3F9D]  }
0x1a: {  	s8 =	sadd.s32 $0xFFFFE003, lr  }
0x1b: {  	s9 =	sadd.s32 $0xFFFFFEF7, lr;
	s5 =	simm.s32 $0xFFFFFFFF;
	p2 =	slt.u32 s8, $0xFFFFF086  }
0x1c: {  	p1 =	slt.u32 s9, $0xF7A;
	s5 =	simm.s32 @!p2 $0x0  }
0x1d: {  	s5 =	simm.s32 @p1 $0x1;
	p0 =	seq.s32 s7, s2  }
0x1e: {  	s7 =	smul.u32 @!p0 $0xF7A, s2;
	p2 =	seq.s32 @!p0 s5, $0x0  }
0x1f: {  	s9 =	smul.u32 $0xF7A, s1;
	s8 =	simm.s32 @!p0 $0x1BF5;
	p2 =	por !p2, p0  }
0x20: {  	[sflag:s8] =	ssyncset.s32 @!p0 $0xFFFFF086;
	s6 =	sadd.s32 @!p0 s3, s7;
	s7 =	simm.s32 @!p0 $0x108  }
0x21: {  	s3 =	sadd.s32 s3, s9;
	s6 =	sadd.s32 @!p0 $0x88, s6;
	s7 =	simm.s32 @p2 $0x1082  }
0x22: {  	[simem:s7], [sflag:s8] =	dma.local @!p0 [hbm:s6], $0xF7A  }
0x23: {  	s9 =	sor.u32 $0xD0000000, s2;
	s6 =	simm.s32 $0x108;
	_ =	swait.ge @!p0 [sflag:s8], $0x0  }
0x24: {  	s3 =	sadd.s32 $0x88, s3;
	s6 =	simm.s32 @!p1 $0x1082;
	[sflag:s4] =	ssyncset.s32 $0xFFFFF086  }
0x25: {  	[simem:s6], [sflag:s4] =	dma.local [hbm:s3], $0xF7A  }
0x26: {  	[smem:$0x3F9D] =	sst s1;
	(tag) =	ssettag s2;
	_ =	strace s9  }
0x27: {  	s1 =	sld [smem:$0x3FAD]  }
0x28: {  	s2 =	sld [smem:$0x3FAE]  }
0x29: {  	s4 =	sld [smem:$0x3FB0]  }
0x2a: {  	p0 =	seq.s32 s5, $0x0;
	s5 =	sld [smem:$0x3FB1]  }
0x2b: {  	s6 =	sld [smem:$0x3FB2]  }
0x2c: {  	s7 =	sld [smem:$0x3FB3]  }
0x2d: {  	s3 =	simm.s32 $0x108;
	s8 =	sld [smem:$0x3FB4]  }
0x2e: {  	s3 =	simm.s32 @!p0 $0x1082;
	s9 =	sld [smem:$0x3FB5]  }
0x2f: {  	lr =	sadd.s32 s0, s3;
	s0 =	sld [smem:$0x3FAC]  }
0x30: {  	s3 =	sld [smem:$0x3FAF]  }
0x31: {  	[smem:$0x3FB8] =	sst s10  }
0x32: {  	s10 =	sld [smem:$0x3FB6];
	_ =	sdelay $0x3  }
0x33: {  	p0 =	seq.s32 s10, $0x1;
	s10 =	sld [smem:$0x3FB8];
	_ =	sdelay $0x3  }
0x34: {  	[smem:$0x3FB8] =	sst s10  }
0x35: {  	s10 =	sld [smem:$0x3FB7];
	_ =	sdelay $0x3  }
0x36: {  	p1 =	seq.s32 s10, $0x1;
	s10 =	sld [smem:$0x3FB8];
	_ =	sdelay $0x3  }
0x37: {  	[smem:$0x3FB8] =	sst s10  }
0x38: {  	s10 =	sld [smem:$0x3FB9]  }
0x39: {  	_ = 	snop;
	(pc) =	sbr.ind lr, $3  }
0x3a: {  	_ = 	snop  }
0x3b: {  	_ = 	snop  }
0x3c: {  	p2 =	seq.s32 s10, $0x1;
	s10 =	sld [smem:$0x3FB8]  }
0x3d: {  	_ =	shalt  }
0x3e: {  	_ =	shalt  }
0x3f: {  	_ =	shalt  }
0x40: {  	_ =	shalt  }
0x41: {  	_ =	shalt  }
0x42: {  	_ =	shalt  }
0x43: {  	_ =	shalt  }
0x44: {  	_ =	shalt  }
0x45: {  	_ =	shalt  }
0x46: {  	_ =	shalt  }
0x47: {  	_ =	shalt  }
0x48: {  	_ =	shalt  }
0x49: {  	_ =	shalt  }
0x4a: {  	_ =	shalt  }
0x4b: {  	_ =	shalt  }
0x4c: {  	_ =	shalt  }
0x4d: {  	_ =	shalt  }
0x4e: {  	_ =	shalt  }
0x4f: {  	_ =	shalt  }
0x50: {  	_ =	shalt  }
0x51: {  	_ =	shalt  }
0x52: {  	_ =	shalt  }
0x53: {  	_ =	shalt  }
0x54: {  	_ =	shalt  }
0x55: {  	_ =	shalt  }
0x56: {  	_ =	shalt  }
0x57: {  	_ =	shalt  }
0x58: {  	_ =	shalt  }
0x59: {  	_ =	shalt  }
0x5a: {  	_ =	shalt  }
0x5b: {  	_ =	shalt  }
0x5c: {  	_ =	shalt  }
0x5d: {  	_ =	shalt  }
0x5e: {  	_ =	shalt  }
0x5f: {  	_ =	shalt  }
0x60: {  	_ =	shalt  }
0x61: {  	_ =	shalt  }
0x62: {  	_ =	shalt  }
0x63: {  	_ =	shalt  }
0x64: {  	_ =	shalt  }
0x65: {  	_ =	shalt  }
0x66: {  	_ =	shalt  }
0x67: {  	_ =	shalt  }
0x68: {  	_ =	shalt  }
0x69: {  	_ =	shalt  }
0x6a: {  	_ =	shalt  }
0x6b: {  	_ =	shalt  }
0x6c: {  	_ =	shalt  }
0x6d: {  	_ =	shalt  }
0x6e: {  	_ =	shalt  }
0x6f: {  	_ =	shalt  }
0x70: {  	_ =	shalt  }
0x71: {  	_ =	shalt  }
0x72: {  	_ =	shalt  }
0x73: {  	_ =	shalt  }
0x74: {  	_ =	shalt  }
0x75: {  	_ =	shalt  }
0x76: {  	_ =	shalt  }
0x77: {  	_ =	shalt  }
0x78: {  	_ =	shalt  }
0x79: {  	_ =	shalt  }
0x7a: {  	_ =	shalt  }
0x7b: {  	_ =	shalt  }
0x7c: {  	_ =	shalt  }
0x7d: {  	_ =	shalt  }
0x7e: {  	_ =	shalt  }
0x7f: {  	_ =	shalt  }
0x80: {  	_ =	shalt  }
0x81: {  	_ =	shalt  }
0x82: {  	_ =	shalt  }
0x83: {  	_ =	shalt  }
0x84: {  	_ =	shalt  }
0x85: {  	_ =	shalt  }
0x86: {  	_ =	shalt  }
0x87: {  	_ =	shalt  }
.Lfunc_end0:
.L_simem_size_0:
called_computation_lowered:
.L_overlay_start_0:
0x88: {  	s0 =	sld [smem:$0x3FD9]  }
0x89: {  	s1 =	sld [smem:$0x3FFE];
	_ =	sdelay $0x3  }
0x8a: {  	s0 =	sadd.s32 s1, s0  }
0x8b: {  	[smem:$0x3FC4] =	sst s0  }
0x8c: {  	_ = 	snop  }
0x8d: {  	s0 =	sld [smem:$0x3FD0];
	_ =	sdelay $0x2  }
0x8e: {  	s13 =	simm.s32 $0xA;
	s2 =	simm.s32 $0x10  }
0x8f: {  	[smem:s2], [sflag:s13] =	dma.local [hbm:s0], $0x1  }
0x90: {  	_ =	swait.eq [sflag:s13], $0x1  }
0x91: {  	s14 =	sld [smem:$0x10];
	[sflag:s13] =	ssyncset.done $0x0  }
0x92: {  	s15 =	sld [smem:$0x11];
	[sflag:s13] =	ssyncadd.s32 $0xFFFFFFFF  }
0x93: {  	s16 =	sld [smem:$0x12];
	(tm) =	ssettm $0x1  }
0x94: {  	s3 =	sld [smem:$0x3FFB];
	_ =	sdelay $0x3  }
0x95: {  	_ =	strace s3  }
0x96: {  	s3 =	sld [smem:$0x3FFC];
	_ =	sdelay $0x3  }
0x97: {  	_ =	strace s3  }
0x98: {  	s3 =	sld [smem:$0x3FFD];
	_ =	sdelay $0x3  }
0x99: {  	_ =	strace s3  }
0x9a: {  	_ =	strace $0x8FFFFFFF  }
0x9b: {  	s17 =	sld [smem:$0x3FDB];
	_ =	sdelay $0x1  }
0x9c: {  	s4 =	simm.s32 $_scs_section_size  }
0x9d: {  	s5 =	simm.s32 $_size__tile_overlayer_lowered;
	s6 =	simm.s32 $_tile_overlayer_lowered  }
0x9e: {  	s20 =	simm.s32 $0x1BFF;
	s19 =	sshll.u32 s6, $0x1;
	s3 =	sadd.s32 s4, s17  }
0x9f: {  	s7 =	simm.s32 $0x0;
	s18 =	sshll.u32 s5, $0x1;
	s5 =	sadd.s32 s19, s3  }
0xa0: {  	[timem:s7], [sflag:s20] =	dma.local [hbm:s5], s18  }
0xa1: {  	_ =	swait.ge [sflag:s20], s18  }
0xa2: {  	s4 =	ssub.s32 $0x0, s18;
	[sflag:s20] =	ssyncset.done $0x0  }
0xa3: {  	[sflag:s20] =	ssyncadd.s32 s4;
	_ =	sdelay $0x1  }
0xa4: {  	s21 =	simm.s32 $0x1B8B  }
0xa5: {  	_ =	swait.ge [sflag:s21], $0x1  }
0xa6: {  	[sflag:s21] =	ssyncset.done $0x0  }
0xa7: {  	s23 =	simm.s32 $0x1B8E;
	s22 =	sld [smem:$0x3FFE];
	[sflag:s21] =	ssyncadd.s32 $0xFFFFFFFF  }
0xa8: {  	s24 =	simm.s32 $execute0_lowered;
	[smem:$0x3FD2] =	sst s23  }
0xa9: {  	s5 =	sshll.u32 s24, $0x1;
	_ =	strace $0x80000046;
	[dreg:$0x1] =	wrdreg $0xFFFFFFFF  }
0xaa: {  	s25 =	simm.s32 $_size_execute0_lowered;
	s3 =	sadd.s32 s3, s5;
	[dreg:$0x0] =	wrdreg $0x0  }
0xab: {  	s5 =	sshll.u32 s25, $0x1;
	[dreg:$0x2] =	wrdreg s3  }
0xac: {  	[dreg:$0x3] =	wrdreg s5  }
0xad: {  	[dreg:$0x4] =	wrdreg $0xC0  }
0xae: {  	_ =	task [dreg:s7], $0x5FFFF  }
0xaf: {  	[dreg:$0x1] =	wrdreg $0xFFFFFFFF  }
0xb0: {  	[dreg:$0x0] =	wrdreg $0x60  }
0xb1: {  	[dreg:$0x2] =	wrdreg s22  }
0xb2: {  	[dreg:$0x3] =	wrdreg s16  }
0xb3: {  	[dreg:$0x4] =	wrdreg s15  }
0xb4: {  	[dreg:$0x5] =	wrdreg s14  }
0xb5: {  	[dreg:$0x6] =	wrdreg $0x9  }
0xb6: {  	_ =	task.clear_ibuf [dreg:s7], $0x7FFFF;
	_ =	strace $0x90000046  }
0xb7: {  	s26 =	simm.s32 $0x9;
	_ =	strace $0x80000048  }
0xb8: {  	_ =	swait.ge [sflag:s26], $0x1  }
0xb9: {  	[sflag:s26] =	ssyncadd.s32 $0xFFFFFFFF  }
0xba: {  	_ =	strace $0x90000048  }
0xbb: {  	_ =	sfence  }
0xbc: {  	s28 =	sld [smem:$0x0];
	_ =	sdelay $0x1  }
0xbd: {  	s29 =	srdreg.scid  }
0xbe: {  	s30 =	sshll.u32 s29, $0xD;
	s31 =	sshrl.u32 s29, $0x2  }
0xbf: {  	s1 =	sand.u32 $0x1, s29;
	s2 =	sand.u32 $0x4000, s30;
	s0 =	sadd.s32 s31, s28  }
0xc0: {  	s1 =	sor.u32 s2, s1;
	s0 =	sshll.u32 s0, $0x11  }
0xc1: {  	s0 =	sor.u32 s0, s1  }
0xc2: {  	s0 =	sadd.s32 $0x8F2B, s0  }
0xc3: {  	[sflag:s0] =	ssyncadd.remote.s32 $0x1  }
0xc4: {  	_ =	sfence.sel $0xFFFF  }
0xc5: {  	[dreg:$0x0] =	wrdreg $0xFFFFFFFF;
	(pc) =	sbr.abs _section_cstart, $3  }
0xc6: {  	[dreg:$0x1] =	wrdreg $0xFFFFFFFF  }
0xc7: {  	_ =	task.clear_ibuf [dreg:s7], $0x2FFFF;
	_ =	strace $0x9FFFFFFF  }
0xc8: {  	(tm) =	ssettm $0x7FFFFFFF  }
0xc9: {  	_ =	shalt  }
tec
execute0_lowered:
.L_overlay_start_1:
0x0: {  	(tag) =	ssettag $0x1  }
0x1: {  	s6 =	rddreg [dreg:$0x0]  }
0x2: {  	s3 =	rddreg [dreg:$0x1]  }
0x3: {  	s4 =	rddreg [dreg:$0x2];
	s0 =	stileid.u32  }
0x4: {  	s5 =	rddreg [dreg:$0x3];
	s7 =	smul.u32 $0x32, s0  }
0x5: {  	s1 =	rddreg [dreg:$0x4];
	s2 =	simm.s32 $0x0  }
0x6: {  	[smem:$0x7FF] =	sst s2;
	s7 =	sadd.s32 s7, s6  }
0x7: {  	s8 =	smul.u32 $0x3F, s0;
	_ =	strace $0x80000047;
	s7 =	sadd.s32 $0x800, s7  }
0x8: {  	[tilespmem:s2], [sflag:$0x1] =	stream.linear.gather [hbm4b:s7+s2], $0x190, $0x38;
	[tilespmem:$0x1590] =	vst v63  }
0x9: {  	s24 =	simm.s32 $0x190;
	s3 =	sadd.s32 s3, s8  }
0xa: {  	[tilespmem:s24], [sflag:$0x1] =	stream.linear.gather [hbm4b:s3+s2], $0x1F4, $0x38;
	[tilespmem:$0x1590] =	vst v63  }
0xb: {  	s25 =	simm.s32 $0x390;
	s4 =	sadd.s32 s4, s8;
	s3 =	smul.u32 $0xFA, s0  }
0xc: {  	[tilespmem:s25], [sflag:$0x1] =	stream.linear.gather [hbm4b:s4+s2], $0x1F4, $0x38;
	[tilespmem:$0x1590] =	vst v63  }
0xd: {  	s26 =	simm.s32 $0x1;
	s5 =	sadd.s32 s5, s3;
	s4 =	simm.s32 $0x590  }
0xe: {  	[tilespmem:s4], [sflag:$0x1] =	stream.linear.gather [hbm4b:s5+s2], $0x7D0, $0x38;
	[tilespmem:$0x1590] =	vst v63  }
0xf: {  	_ =	swait.ge [sflag:s26], $0x190  }
0x10: {  	[sflag:s26] =	ssyncset.done $0x0  }
0x11: {  	[sflag:s26] =	ssyncadd.s32 $0xFFFFFE70  }
0x12: {  	_ =	swait.ge [sflag:s26], $0x1F4  }
0x13: {  	[sflag:s26] =	ssyncset.done $0x0  }
0x14: {  	[sflag:s26] =	ssyncadd.s32 $0xFFFFFE0C  }
0x15: {  	_ =	swait.ge [sflag:s26], $0x1F4  }
0x16: {  	[sflag:s26] =	ssyncset.done $0x0  }
0x17: {  	[sflag:s26] =	ssyncadd.s32 $0xFFFFFE0C  }
0x18: {  	_ =	swait.ge [sflag:s26], $0x7D0  }
0x19: {  	[sflag:s26] =	ssyncset.done $0x0  }
0x1a: {  	s28 =	simm.s32 $0x0;
	[sflag:s26] =	ssyncadd.s32 $0xFFFFF830  }
0x1b: {  	v0 =	vld [tilespmem:s28+$0x390];
	_ =	sdelay $0x4  }
0x1c: {  	v0 =	vcvt.s32.f32 v0;
	_ =	sdelay $0x1  }
0x1d: {  	v0 =	vmul.f32 $-1.001000640e-03, v0;
	_ =	sdelay $0x1  }
0x1e: {  	v0 =	vmul.f32 $1.442695020e+00, v0;
	_ =	sdelay $0x1  }
0x1f: {  	(erf) = vpow2.f32 v0;
	_ =	sdelay $0x8  }
0x20: {  	v4 =	vpop (erf)  }
0x21: {  	v0 =	vmul.f32 v4, v4;
	_ =	sdelay $0x1  }
0x22: {  	v1 =	vsub.f32 $1.000000000e+00, v0;
	_ =	sdelay $0x1  }
0x23: {  	v0 =	vshra.s32 v1, $0x1;
	v2 =	vmul.f32 $5.000000000e-01, v1  }
0x24: {  	v0 =	vsub.s32 $0x5F3759DF, v0  }
0x25: {  	v3 =	vmul.f32 v0, v2  }
0x26: {  	v5 =	vld [tilespmem:s28+$0x190]  }
0x27: {  	v3 =	vmul.f32 v0, v3;
	_ =	sdelay $0x1  }
0x28: {  	v3 =	vsub.f32 $1.500000000e+00, v3;
	_ =	sdelay $0x1  }
0x29: {  	vm0 =	vgt.s32 v5, $0x0;
	v3 =	vmul.f32 v0, v3  }
0x2a: {  	v5 =	vnsel vm0, $0x0, v5;
	v0 =	vlaneseq.u32  }
0x2b: {  	v5 =	vmin.u32 v5, $0x63;
	v0 =	vmul.u32 $0x4, v0;
	v2 =	vmul.f32 v3, v2  }
0x2c: {  	v5 =	vshll.u32 v5, $0x2  }
0x2d: {  	v6 =	vor.u32 s2, v0;
	v2 =	vmul.f32 v2, v3;
	_ =	sdelay $0x1  }
0x2e: {  	v2 =	vsub.f32 $1.500000000e+00, v2;
	_ =	sdelay $0x1  }
0x2f: {  	v7 =	vld.idx.msk [tilespmem:v5+s2+$0x0], $0xffff;
	v2 =	vmul.f32 v2, v3  }
0x30: {  	v3 =	vld.idx.msk [tilespmem:v6+s4+$0x0], $0xffff  }
0x31: {  	v1 =	vmul.f32 v2, v1;
	_ =	sdelay $0x1  }
0x32: {  	v1 =	vmul.f32 $1.024000000e+03, v1;
	_ =	sdelay $0x1  }
0x33: {  	s29 =	simm.s32 $0x1;
	v2 =	vmul.f32 v4, v7;
	v7 =	vor.u32 $0x1, v5;
	v3 =	vmul.f32 v1, v3  }
0x34: {  	v8 =	vor.u32 s29, v0  }
0x35: {  	v2 =	vadd.f32 v3, v2  }
0x36: {  	s5 =	simm.s32 $0xD90  }
0x37: {  	[tilespmem:v6+s5+$0x0] =	vst.idx.msk $0xffff, v2  }
0x38: {  	v2 =	vld.idx.msk [tilespmem:v7+s2+$0x0], $0xffff  }
0x39: {  	v3 =	vld.idx.msk [tilespmem:v8+s4+$0x0], $0xffff;
	_ =	sdelay $0x4  }
0x3a: {  	s30 =	simm.s32 $0x2;
	v6 =	vor.u32 $0x2, v5;
	v2 =	vmul.f32 v4, v2;
	v3 =	vmul.f32 v1, v3  }
0x3b: {  	v7 =	vor.u32 s30, v0  }
0x3c: {  	v2 =	vadd.f32 v3, v2;
	_ =	sdelay $0x1  }
0x3d: {  	[tilespmem:v8+s5+$0x0] =	vst.idx.msk $0xffff, v2  }
0x3e: {  	v2 =	vld.idx.msk [tilespmem:v6+s2+$0x0], $0xffff  }
0x3f: {  	v3 =	vld.idx.msk [tilespmem:v7+s4+$0x0], $0xffff;
	_ =	sdelay $0x4  }
0x40: {  	v2 =	vmul.f32 v2, v4;
	v3 =	vmul.f32 v1, v3;
	_ =	sdelay $0x1  }
0x41: {  	v2 =	vadd.f32 v3, v2  }
0x42: {  	s31 =	simm.s32 $0x3;
	v5 =	vor.u32 $0x3, v5  }
0x43: {  	[tilespmem:v7+s5+$0x0] =	vst.idx.msk $0xffff, v2;
	v2 =	vor.u32 s31, v0;
	_ =	sdelay $0x3  }
0x44: {  	v5 =	vld.idx.msk [tilespmem:v5+s2+$0x0], $0xffff  }
0x45: {  	v3 =	vld.idx.msk [tilespmem:v2+s4+$0x0], $0xffff;
	_ =	sdelay $0x3  }
0x46: {  	s6 =	sadd.s32 $0xC00, s6;
	s7 =	simm.s32 $0x40;
	v4 =	vmul.f32 v5, v4  }
.LBB2_1:
0x47: {  	p0 =	sne.s32 s7, $0x7C0;
	v1 =	vmul.f32 v1, v3;
	s8 =	smov.u32 s7;
	s7 =	sadd.s32 $0x40, s7  }
0x48: {  	_ = 	snop  }
0x49: {  	v1 =	vadd.f32 v1, v4  }
0x4a: {  	s9 =	sshra.s32 s8, $0x2  }
0x4b: {  	[tilespmem:v2+s5+$0x0] =	vst.idx.msk $0xffff, v1  }
0x4c: {  	v1 =	vld [tilespmem:s9+$0x390];
	_ =	sdelay $0x4  }
0x4d: {  	v1 =	vcvt.s32.f32 v1;
	_ =	sdelay $0x1  }
0x4e: {  	v1 =	vmul.f32 $-1.001000640e-03, v1;
	_ =	sdelay $0x1  }
0x4f: {  	v1 =	vmul.f32 $1.442695020e+00, v1;
	_ =	sdelay $0x1  }
0x50: {  	(erf) = vpow2.f32 v1;
	_ =	sdelay $0x8  }
0x51: {  	v4 =	vpop (erf)  }
0x52: {  	v1 =	vmul.f32 v4, v4;
	_ =	sdelay $0x1  }
0x53: {  	v1 =	vsub.f32 $1.000000000e+00, v1;
	_ =	sdelay $0x1  }
0x54: {  	v2 =	vshra.s32 v1, $0x1;
	v3 =	vmul.f32 $5.000000000e-01, v1  }
0x55: {  	v2 =	vsub.s32 $0x5F3759DF, v2  }
0x56: {  	v5 =	vld [tilespmem:s9+$0x190];
	v6 =	vmul.f32 v2, v3;
	_ =	sdelay $0x1  }
0x57: {  	v6 =	vmul.f32 v2, v6;
	_ =	sdelay $0x1  }
0x58: {  	v6 =	vsub.f32 $1.500000000e+00, v6  }
0x59: {  	vm0 =	vgt.s32 v5, $0x0  }
0x5a: {  	v5 =	vnsel vm0, $0x0, v5;
	v2 =	vmul.f32 v2, v6  }
0x5b: {  	v5 =	vmin.u32 v5, $0x63  }
0x5c: {  	v6 =	vor.u32 s8, v0;
	v3 =	vmul.f32 v2, v3;
	v5 =	vshll.u32 v5, $0x2;
	_ =	sdelay $0x1  }
0x5d: {  	v3 =	vmul.f32 v3, v2;
	_ =	sdelay $0x1  }
0x5e: {  	v3 =	vsub.f32 $1.500000000e+00, v3  }
0x5f: {  	v7 =	vld.idx.msk [tilespmem:v5+s2+$0x0], $0xffff  }
0x60: {  	v2 =	vmul.f32 v3, v2;
	v3 =	vld.idx.msk [tilespmem:v6+s4+$0x0], $0xffff;
	_ =	sdelay $0x1  }
0x61: {  	v1 =	vmul.f32 v2, v1;
	_ =	sdelay $0x1  }
0x62: {  	v1 =	vmul.f32 $1.024000000e+03, v1  }
0x63: {  	v2 =	vmul.f32 v4, v7;
	v7 =	vor.u32 $0x1, v5  }
0x64: {  	s9 =	sadd.s32 $0x1, s8;
	v3 =	vmul.f32 v1, v3  }
0x65: {  	v8 =	vor.u32 s9, v0  }
0x66: {  	v2 =	vadd.f32 v3, v2;
	_ =	sdelay $0x1  }
0x67: {  	[tilespmem:v6+s5+$0x0] =	vst.idx.msk $0xffff, v2  }
0x68: {  	v2 =	vld.idx.msk [tilespmem:v7+s2+$0x0], $0xffff  }
0x69: {  	v3 =	vld.idx.msk [tilespmem:v8+s4+$0x0], $0xffff;
	_ =	sdelay $0x4  }
0x6a: {  	v6 =	vor.u32 $0x2, v5;
	v2 =	vmul.f32 v4, v2  }
0x6b: {  	s9 =	sadd.s32 $0x2, s8;
	v3 =	vmul.f32 v1, v3  }
0x6c: {  	v7 =	vor.u32 s9, v0  }
0x6d: {  	v2 =	vadd.f32 v3, v2;
	_ =	sdelay $0x1  }
0x6e: {  	[tilespmem:v8+s5+$0x0] =	vst.idx.msk $0xffff, v2  }
0x6f: {  	v2 =	vld.idx.msk [tilespmem:v6+s2+$0x0], $0xffff  }
0x70: {  	v3 =	vld.idx.msk [tilespmem:v7+s4+$0x0], $0xffff;
	_ =	sdelay $0x4  }
0x71: {  	s8 =	sadd.s32 $0x3, s8;
	v5 =	vor.u32 $0x3, v5;
	v6 =	vmul.f32 v2, v4  }
0x72: {  	v2 =	vor.u32 s8, v0;
	v3 =	vmul.f32 v1, v3;
	_ =	sdelay $0x1  }
0x73: {  	v3 =	vadd.f32 v3, v6;
	_ =	sdelay $0x1  }
0x74: {  	[tilespmem:v7+s5+$0x0] =	vst.idx.msk $0xffff, v3  }
0x75: {  	v5 =	vld.idx.msk [tilespmem:v5+s2+$0x0], $0xffff  }
0x76: {  	v3 =	vld.idx.msk [tilespmem:v2+s4+$0x0], $0xffff  }
.Ltmp0:
0x77: {  	(pc) =	sbr.rel @p0 .LBB2_1-.Ltmp0, $2  }
0x78: {  	_ =	sdelay $0x2  }
0x79: {  	v4 =	vmul.f32 v5, v4  }
0x7a: {  	v0 =	vmul.f32 v1, v3;
	_ =	sdelay $0x1  }
0x7b: {  	v0 =	vadd.f32 v0, v4  }
0x7c: {  	s2 =	sadd.s32 s6, s3  }
0x7d: {  	s30 =	simm.s32 $0x0;
	s4 =	simm.s32 $0xD90;
	s31 =	simm.s32 $0x2;
	[tilespmem:v2+s5+$0x0] =	vst.idx.msk $0xffff, v0  }
0x7e: {  	[hbm4b:s2+s30] =	stream.linear.scatter [tilespmem:s4], [sflag:$0x2], $0x7D0, $0x38;
	[tilespmem:$0x1590] =	vst v63  }
0x7f: {  	_ =	swait.ge [sflag:s31], $0x7D0  }
0x80: {  	[sflag:s31] =	ssyncset.done $0x0  }
0x81: {  	[sflag:s31] =	ssyncadd.s32 $0xFFFFF830  }
0x82: {  	_ =	sfence.sel $0x180000  }
0x83: {  	[bflag:$0x0] =	sbarrier.arrive $0xFFFF  }
0x84: {  	p0 =	sne.s32 s0, $0x0;
	_ =	strace $0x90000047  }
0x85: {  	s0 =	sadd.s32 @!p0 $0x100000, s1;
	[bflag:$0x2] =	sbarrier.arrive $0xFFFF  }
0x86: {  	[sflag:s0] =	ssyncadd.tile.s32 @!p0 $0x1;
	_ =	shalt  }
.Lfunc_end2:
_tile_overlayer_lowered:
.L_overlay_start_2:
0x87: {  	(tag) =	ssettag $0x2  }
0x88: {  	s0 =	rddreg [dreg:$0x0];
	s2 =	stileid.u32  }
0x89: {  	s1 =	rddreg [dreg:$0x1];
	p0 =	sne.s32 s2, $0x0  }
0x8a: {  	s3 =	rddreg [dreg:$0x2];
	[bflag:$0x3] =	sbarrier.arrive $0xFFFF;
	s2 =	simm.s32 @!p0 $0x1C02  }
0x8b: {  	[timem:s3], [sflag:s2] =	dma.local @!p0 [hbm:s0], s1  }
0x8c: {  	s0 =	simm.s32 @!p0 $0x2  }
0x8d: {  	_ =	swait.ge @!p0 [sflag:s0], s1  }
0x8e: {  	s1 =	ssub.s32 @!p0 $0x0, s1;
	[sflag:s0] =	ssyncset.done @!p0 $0x0  }
0x8f: {  	[sflag:s0] =	ssyncadd.s32 @!p0 s1  }
0x90: {  	[bflag:$0x3] =	sbarrier.arrive $0xFFFF  }
0x91: {  	_ =	shalt  }

</sc_bundles>
